<compile_context>
chip_gen: v7x
topology: tpu7x:2x2x1
jax: 0.10.2.dev20260603
libtpu: 0.0.44.dev20260713+nightly
codegen_flags: <defaults>
</compile_context>

<pallas_src>
import functools

import jax
import jax.numpy as jnp
from jax import lax
from jax.experimental import pallas as pl
from jax.experimental.pallas import tpu as pltpu
from jax.experimental.pallas import tpu_sc as plsc

B = 16384
D = 64
NF = 128
NU = 1000000
NC, NS = 2, 16
NW = NC * NS
BPW = B // NW

UBLK = 32768
UGRID = -(-NU // UBLK)
NMB = 16
MBLK = B // NMB


def _tc_body(w1_ref, tT_ref, mf_ref, wfT_ref, w2_ref, bf_ref, bfc_ref,
             ud_ref, qm_ref):
    ud_ref[...] = jnp.dot(w1_ref[...], tT_ref[...],
                          preferred_element_type=jnp.float32).reshape(UBLK)
    wm_row = jnp.dot(w2_ref[...], wfT_ref[...],
                     preferred_element_type=jnp.float32)
    qm = lax.dot_general(mf_ref[...], wm_row, (((1,), (1,)), ((), ())),
                         preferred_element_type=jnp.float32)
    c = jnp.sum(bf_ref[...] * w2_ref[...]) + bfc_ref[0, 0]
    qm_ref[...] = qm[:, 0] + c


_tc_dense = pl.pallas_call(
    _tc_body,
    grid=(UGRID,),
    in_specs=[
        pl.BlockSpec((1, D), lambda i: (0, 0)),
        pl.BlockSpec((D, UBLK), lambda i: (0, i)),
        pl.BlockSpec((MBLK, NF), lambda i: (jnp.minimum(i, NMB - 1), 0)),
        pl.BlockSpec((D, NF), lambda i: (0, 0)),
        pl.BlockSpec((1, D), lambda i: (0, 0)),
        pl.BlockSpec((1, D), lambda i: (0, 0)),
        pl.BlockSpec((1, 1), lambda i: (0, 0)),
    ],
    out_specs=[
        pl.BlockSpec((UBLK,), lambda i: (i,)),
        pl.BlockSpec((MBLK,), lambda i: (jnp.minimum(i, NMB - 1),)),
    ],
    out_shape=[
        jax.ShapeDtypeStruct((NU,), jnp.float32),
        jax.ShapeDtypeStruct((B,), jnp.float32),
    ],
)


def _make_sc():
    mesh = plsc.VectorSubcoreMesh(core_axis_name="c", subcore_axis_name="s")

    @functools.partial(
        pl.kernel,
        mesh=mesh,
        compiler_params=pltpu.CompilerParams(use_tc_tiling_on_sc=False),
        out_type=jax.ShapeDtypeStruct((B,), jnp.float32),
        scratch_types=[
            pltpu.VMEM((BPW,), jnp.int32),
            pltpu.VMEM((BPW,), jnp.float32),
            pltpu.VMEM((BPW,), jnp.float32),
            pltpu.VMEM((BPW,), jnp.float32),
            pltpu.SemaphoreType.DMA,
        ],
    )
    def sc_k(udot_hbm, qm_hbm, idx_hbm, out_hbm,
             idx_v, ud_v, qm_v, out_v, sem_g):
        wid = lax.axis_index("s") * NC + lax.axis_index("c")
        base = wid * BPW

        pltpu.sync_copy(idx_hbm.at[pl.ds(base, BPW)], idx_v)
        gcp = pltpu.async_copy(udot_hbm.at[idx_v], ud_v, sem_g)
        pltpu.sync_copy(qm_hbm.at[pl.ds(base, BPW)], qm_v)
        gcp.wait()

        def body(g, carry):
            out_v[pl.ds(g * 16, 16)] = (ud_v[pl.ds(g * 16, 16)]
                                        + qm_v[pl.ds(g * 16, 16)])
            return carry

        lax.fori_loop(0, BPW // 16, body, 0)
        pltpu.sync_copy(out_v, out_hbm.at[pl.ds(base, BPW)])

    return sc_k


_sc_cache = []


def kernel(user_ids, movie_features, user_embedding, W_feat, b_feat, W_fc, b_fc):
    if not _sc_cache:
        _sc_cache.append(_make_sc())
    w1 = W_fc[:D, 0].reshape(1, D)
    w2 = W_fc[D:, 0].reshape(1, D)
    udot, qmovie = _tc_dense(w1, user_embedding.T, movie_features, W_feat.T,
                             w2, b_feat.reshape(1, D), b_fc.reshape(1, 1))
    return _sc_cache[0](udot, qmovie, user_ids.astype(jnp.int32))

# --- scband reference (transcript-rebuilt; emitter-appended) ---
"""Pipeline reference for scband-content-filtering-32779190403141 (READ-ONLY COPY).

The authoritative reference and input builder live on the scoring server;
editing this copy changes nothing except your own understanding.
"""

import jax, jax.numpy as jnp
import numpy as np

NUM_USERS = 1000000
NUM_FEATURES = 128
EMBED_DIM = 64
BATCH = 16384

def setup_inputs(seed: int = 0) -> dict:
    key = jax.random.key(seed)
    k1, k2, k3, k4, k5, k6, k7 = jax.random.split(key, 7)
    user_ids = jax.random.randint(k1, (BATCH,), 0, NUM_USERS, dtype=jnp.int64 if jax.config.jax_enable_x64 else jnp.int32)
    movie_features = jax.random.normal(k2, (BATCH, NUM_FEATURES), dtype=jnp.float32)
    user_embedding = jax.random.normal(k3, (NUM_USERS, EMBED_DIM), dtype=jnp.float32) * 0.02
    W_feat = jax.random.normal(k4, (NUM_FEATURES, EMBED_DIM), dtype=jnp.float32) * (1.0 / np.sqrt(NUM_FEATURES))
    b_feat = jax.random.normal(k5, (EMBED_DIM,), dtype=jnp.float32) * 0.01
    W_fc = jax.random.normal(k6, (EMBED_DIM * 2, 1), dtype=jnp.float32) * (1.0 / np.sqrt(EMBED_DIM * 2))
    b_fc = jax.random.normal(k7, (1,), dtype=jnp.float32) * 0.01
    return {"user_ids": user_ids, "movie_features": movie_features, "user_embedding": user_embedding, "W_feat": W_feat, "b_feat": b_feat, "W_fc": W_fc, "b_fc": b_fc}

def reference(user_ids, movie_features, user_embedding, W_feat, b_feat, W_fc, b_fc):
    user_embeds = jnp.take(user_embedding, user_ids, axis=0)
    movie_embeds = movie_features @ W_feat + b_feat
    concat_embeds = jnp.concatenate([user_embeds, movie_embeds], axis=1)
    output = concat_embeds @ W_fc + b_fc
    return jnp.squeeze(output)

if __name__ == "__main__":
    import jax
    _d = setup_inputs()
    print(jax.jit(kernel)(*tuple(_d.values())))

</pallas_src>

<mosaic_0001>
#map = affine_map<(d0, d1) -> (0)>
module attributes {stable_mosaic.version = 14 : i64} {
  func.func @sc_k(%arg0: i32, %arg1: i32, %arg2: memref<1000000xf32, #tpu.memory_space<hbm>>, %arg3: memref<16384xf32, #tpu.memory_space<hbm>>, %arg4: memref<16384xi32, #tpu.memory_space<hbm>>, %arg5: memref<16384xf32, #tpu.memory_space<hbm>>, %arg6: memref<512xi32, #tpu.memory_space<vmem>>, %arg7: memref<512xf32, #tpu.memory_space<vmem>>, %arg8: memref<512xf32, #tpu.memory_space<vmem>>, %arg9: memref<512xf32, #tpu.memory_space<vmem>>, %arg10: memref<!tpu.dma_semaphore, #tpu.memory_space<semaphore_mem>>) attributes {dimension_semantics = [#tpu.dimension_semantics<core_parallel>, #tpu.dimension_semantics<subcore_parallel>], iteration_bounds = array<i64: 2, 16>, scalar_prefetch = 0 : i64, scratch_operands = 5 : i64, tpu.core_type = #tpu.core_type<sc_vector_subcore>, window_params = [{transform_indices = #map}, {transform_indices = #map}, {transform_indices = #map}, {transform_indices = #map}]} {
    %mul3A = arith.constant 2 : i32
    %mul3A_0 = arith.muli %arg1, %mul3A : i32
    %add3A = arith.addi %mul3A_0, %arg0 : i32
    %mul3A_1 = arith.constant 512 : i32
    %mul3A_2 = arith.muli %add3A, %mul3A_1 : i32
    "tpu.region"() ({
      %run_scoped3A = tpu.sem_alloc : memref<!tpu.dma_semaphore, #tpu.memory_space<semaphore_mem>>
      %dma_start3A_10 = tpu.memref_slice %arg4[%mul3A_2] : memref<16384xi32, #tpu.memory_space<hbm>> -> memref<512xi32, #tpu.memory_space<hbm>>
      %dma_start3A_11 = tpu.memref_slice %arg4[%mul3A_2] : memref<16384xi32, #tpu.memory_space<hbm>> -> memref<512xi32, #tpu.memory_space<hbm>>
      tpu.enqueue_dma source(%dma_start3A_11 : memref<512xi32, #tpu.memory_space<hbm>>) target(%arg6 : memref<512xi32, #tpu.memory_space<vmem>>) target_semaphore(%run_scoped3A : memref<!tpu.dma_semaphore, #tpu.memory_space<semaphore_mem>>)
      %dma_wait3A_12 = tpu.memref_slice %arg4[%mul3A_2] : memref<16384xi32, #tpu.memory_space<hbm>> -> memref<512xi32, #tpu.memory_space<hbm>>
      %dma_wait3A_13 = tpu.memref_slice %arg4[%mul3A_2] : memref<16384xi32, #tpu.memory_space<hbm>> -> memref<512xi32, #tpu.memory_space<hbm>>
      tpu.wait_dma2 semaphore(%run_scoped3A : memref<!tpu.dma_semaphore, #tpu.memory_space<semaphore_mem>>) src(%dma_wait3A_13 : memref<512xi32, #tpu.memory_space<hbm>>) dst(%arg6 : memref<512xi32, #tpu.memory_space<vmem>>)
      tpu.yield
    }) : () -> ()
    %dma_start3A = arith.constant 0 : i32
    %dma_start3A_3 = tpu.memref_slice %arg2[%dma_start3A] : memref<1000000xf32, #tpu.memory_space<hbm>> -> memref<1000000xf32, #tpu.memory_space<hbm>>
    tpu.enqueue_indirect_dma source(%dma_start3A_3 : memref<1000000xf32, #tpu.memory_space<hbm>>) target(%arg7 : memref<512xf32, #tpu.memory_space<vmem>>) offsets(%arg6 : memref<512xi32, #tpu.memory_space<vmem>>) semaphore(%arg10 : memref<!tpu.dma_semaphore, #tpu.memory_space<semaphore_mem>>)
    "tpu.region"() ({
      %run_scoped3A = tpu.sem_alloc : memref<!tpu.dma_semaphore, #tpu.memory_space<semaphore_mem>>
      %dma_start3A_10 = tpu.memref_slice %arg3[%mul3A_2] : memref<16384xf32, #tpu.memory_space<hbm>> -> memref<512xf32, #tpu.memory_space<hbm>>
      %dma_start3A_11 = tpu.memref_slice %arg3[%mul3A_2] : memref<16384xf32, #tpu.memory_space<hbm>> -> memref<512xf32, #tpu.memory_space<hbm>>
      tpu.enqueue_dma source(%dma_start3A_11 : memref<512xf32, #tpu.memory_space<hbm>>) target(%arg8 : memref<512xf32, #tpu.memory_space<vmem>>) target_semaphore(%run_scoped3A : memref<!tpu.dma_semaphore, #tpu.memory_space<semaphore_mem>>)
      %dma_wait3A_12 = tpu.memref_slice %arg3[%mul3A_2] : memref<16384xf32, #tpu.memory_space<hbm>> -> memref<512xf32, #tpu.memory_space<hbm>>
      %dma_wait3A_13 = tpu.memref_slice %arg3[%mul3A_2] : memref<16384xf32, #tpu.memory_space<hbm>> -> memref<512xf32, #tpu.memory_space<hbm>>
      tpu.wait_dma2 semaphore(%run_scoped3A : memref<!tpu.dma_semaphore, #tpu.memory_space<semaphore_mem>>) src(%dma_wait3A_13 : memref<512xf32, #tpu.memory_space<hbm>>) dst(%arg8 : memref<512xf32, #tpu.memory_space<vmem>>)
      tpu.yield
    }) : () -> ()
    %dma_wait3A = arith.constant 0 : i32
    %dma_wait3A_4 = tpu.memref_slice %arg2[%dma_wait3A] : memref<1000000xf32, #tpu.memory_space<hbm>> -> memref<1000000xf32, #tpu.memory_space<hbm>>
    tpu.wait_indirect_dma semaphore(%arg10 : memref<!tpu.dma_semaphore, #tpu.memory_space<semaphore_mem>>) src(%dma_wait3A_4 : memref<1000000xf32, #tpu.memory_space<hbm>>) dst(%arg7 : memref<512xf32, #tpu.memory_space<vmem>>)
    %scan3A = arith.constant 0 : i32
    %scan3A_5 = arith.constant 0 : i32
    %scan3A_6 = arith.constant 32 : i32
    %scan3A_7 = arith.addi %scan3A_5, %scan3A_6 : i32
    %scan3A_8 = arith.constant 1 : i32
    scf.for %scan3A_10 = %scan3A_5 to %scan3A_7 step %scan3A_8  : i32 {
      %mul3A_11 = arith.constant 16 : i32
      %mul3A_12 = arith.muli %scan3A_10, %mul3A_11 : i32
      %get3A = arith.index_cast %mul3A_12 : i32 to index
      %get3A_13 = tpu.vector_load %arg7[%get3A] {strides = array<i32>} : memref<512xf32, #tpu.memory_space<vmem>>, vector<16xf32>,
      %get3A_14 = vector.shape_cast %get3A_13 : vector<16xf32> to vector<16xf32>
      %mul3A_15 = arith.constant 16 : i32
      %mul3A_16 = arith.muli %scan3A_10, %mul3A_15 : i32
      %get3A_17 = arith.index_cast %mul3A_16 : i32 to index
      %get3A_18 = tpu.vector_load %arg8[%get3A_17] {strides = array<i32>} : memref<512xf32, #tpu.memory_space<vmem>>, vector<16xf32>,
      %get3A_19 = vector.shape_cast %get3A_18 : vector<16xf32> to vector<16xf32>
      %add3A_20 = arith.addf %get3A_14, %get3A_19 : vector<16xf32>
      %mul3A_21 = arith.constant 16 : i32
      %mul3A_22 = arith.muli %scan3A_10, %mul3A_21 : i32
      %swap3A = arith.index_cast %mul3A_22 : i32 to index
      %swap3A_23 = tpu.vector_load %arg9[%swap3A] {strides = array<i32>} : memref<512xf32, #tpu.memory_space<vmem>>, vector<16xf32>,
      %swap3A_24 = vector.shape_cast %swap3A_23 : vector<16xf32> to vector<16xf32>
      %swap3A_25 = vector.shape_cast %add3A_20 : vector<16xf32> to vector<16xf32>
      tpu.vector_store %arg9[%swap3A], %swap3A_25 {strides = array<i32>} : memref<512xf32, #tpu.memory_space<vmem>>, vector<16xf32>,
    }
    %scan3A_9 = arith.constant 32 : i32
    "tpu.region"() ({
      %run_scoped3A = tpu.sem_alloc : memref<!tpu.dma_semaphore, #tpu.memory_space<semaphore_mem>>
      %dma_start3A_10 = tpu.memref_slice %arg5[%mul3A_2] : memref<16384xf32, #tpu.memory_space<hbm>> -> memref<512xf32, #tpu.memory_space<hbm>>
      %dma_start3A_11 = tpu.memref_slice %arg5[%mul3A_2] : memref<16384xf32, #tpu.memory_space<hbm>> -> memref<512xf32, #tpu.memory_space<hbm>>
      tpu.enqueue_dma source(%arg9 : memref<512xf32, #tpu.memory_space<vmem>>) target(%dma_start3A_11 : memref<512xf32, #tpu.memory_space<hbm>>) target_semaphore(%run_scoped3A : memref<!tpu.dma_semaphore, #tpu.memory_space<semaphore_mem>>)
      %dma_wait3A_12 = tpu.memref_slice %arg5[%mul3A_2] : memref<16384xf32, #tpu.memory_space<hbm>> -> memref<512xf32, #tpu.memory_space<hbm>>
      %dma_wait3A_13 = tpu.memref_slice %arg5[%mul3A_2] : memref<16384xf32, #tpu.memory_space<hbm>> -> memref<512xf32, #tpu.memory_space<hbm>>
      tpu.wait_dma2 semaphore(%run_scoped3A : memref<!tpu.dma_semaphore, #tpu.memory_space<semaphore_mem>>) src(%arg9 : memref<512xf32, #tpu.memory_space<vmem>>) dst(%dma_wait3A_13 : memref<512xf32, #tpu.memory_space<hbm>>)
      tpu.yield
    }) : () -> ()
    return
  }
}

module attributes {stable_mosaic.version = 14 : i64} {
  func.func @_tc_body(%arg0: i32, %arg1: memref<1x64xf32, #tpu.memory_space<vmem>>, %arg2: memref<64x32768xf32, #tpu.memory_space<vmem>>, %arg3: memref<1024x128xf32, #tpu.memory_space<vmem>>, %arg4: memref<64x128xf32, #tpu.memory_space<vmem>>, %arg5: memref<1x64xf32, #tpu.memory_space<vmem>>, %arg6: memref<1x64xf32, #tpu.memory_space<vmem>>, %arg7: memref<1x1xf32, #tpu.memory_space<vmem>>, %arg8: memref<32768xf32, #tpu.memory_space<vmem>>, %arg9: memref<1024xf32, #tpu.memory_space<vmem>>) attributes {dimension_semantics = [#tpu.dimension_semantics<arbitrary>], iteration_bounds = array<i64: 31>, scalar_prefetch = 0 : i64, scratch_operands = 0 : i64, tpu.core_type = #tpu.core_type<tc>, window_params = [{pipeline_mode = #tpu.pipeline_mode<synchronous>, transform_indices = @transform_0, window_bounds = array<i64: 1, 64>}, {transform_indices = @transform_1, window_bounds = array<i64: 64, 32768>}, {transform_indices = @transform_2, window_bounds = array<i64: 1024, 128>}, {pipeline_mode = #tpu.pipeline_mode<synchronous>, transform_indices = @transform_3, window_bounds = array<i64: 64, 128>}, {pipeline_mode = #tpu.pipeline_mode<synchronous>, transform_indices = @transform_4, window_bounds = array<i64: 1, 64>}, {pipeline_mode = #tpu.pipeline_mode<synchronous>, transform_indices = @transform_5, window_bounds = array<i64: 1, 64>}, {pipeline_mode = #tpu.pipeline_mode<synchronous>, transform_indices = @transform_6, window_bounds = array<i64: 1, 1>}, {transform_indices = @transform_7, window_bounds = array<i64: 32768>}, {transform_indices = @transform_8, window_bounds = array<i64: 1024>}]} {
    %get3A = arith.constant 0 : index
    %get3A_0 = arith.constant 0 : index
    %get3A_1 = vector.load %arg1[%get3A, %get3A_0] : memref<1x64xf32, #tpu.memory_space<vmem>>, vector<1x64xf32>
    %get3A_2 = arith.constant 0 : index
    %get3A_3 = arith.constant 0 : index
    %get3A_4 = vector.load %arg2[%get3A_2, %get3A_3] : memref<64x32768xf32, #tpu.memory_space<vmem>>, vector<64x32768xf32>
    %dot_general3A = arith.constant dense<0.000000e+00> : vector<1x32768xf32>
    %dot_general3A_5 = tpu.matmul %get3A_1, %get3A_4, %dot_general3A {dimension_numbers = #tpu.dot_dimension_numbers<[1], [0], [0], [1], [0, 0, 1, 1], [], []>, transpose_lhs_hint = false} : vector<1x64xf32>, vector<64x32768xf32>, vector<1x32768xf32> -> vector<1x32768xf32>
    %reshape3A = vector.shape_cast %dot_general3A_5 : vector<1x32768xf32> to vector<32768xf32>
    %swap3A = arith.constant 0 : index
    %swap3A_6 = vector.load %arg8[%swap3A] : memref<32768xf32, #tpu.memory_space<vmem>>, vector<32768xf32>
    tpu.vector_store %arg8[%swap3A], %reshape3A {strides = array<i32>} : memref<32768xf32, #tpu.memory_space<vmem>>, vector<32768xf32>,
    %get3A_7 = arith.constant 0 : index
    %get3A_8 = arith.constant 0 : index
    %get3A_9 = vector.load %arg5[%get3A_7, %get3A_8] : memref<1x64xf32, #tpu.memory_space<vmem>>, vector<1x64xf32>
    %get3A_10 = arith.constant 0 : index
    %get3A_11 = arith.constant 0 : index
    %get3A_12 = vector.load %arg4[%get3A_10, %get3A_11] : memref<64x128xf32, #tpu.memory_space<vmem>>, vector<64x128xf32>
    %dot_general3A_13 = arith.constant dense<0.000000e+00> : vector<1x128xf32>
    %dot_general3A_14 = tpu.matmul %get3A_9, %get3A_12, %dot_general3A_13 {dimension_numbers = #tpu.dot_dimension_numbers<[1], [0], [0], [1], [0, 0, 1, 1], [], []>, transpose_lhs_hint = false} : vector<1x64xf32>, vector<64x128xf32>, vector<1x128xf32> -> vector<1x128xf32>
    %get3A_15 = arith.constant 0 : index
    %get3A_16 = arith.constant 0 : index
    %get3A_17 = vector.load %arg3[%get3A_15, %get3A_16] : memref<1024x128xf32, #tpu.memory_space<vmem>>, vector<1024x128xf32>
    %dot_general3A_18 = arith.constant dense<0.000000e+00> : vector<1024x1xf32>
    %dot_general3A_19 = tpu.matmul %get3A_17, %dot_general3A_14, %dot_general3A_18 {dimension_numbers = #tpu.dot_dimension_numbers<[1], [1], [0], [0], [0, 0, 1, 0], [], []>, transpose_lhs_hint = false} : vector<1024x128xf32>, vector<1x128xf32>, vector<1024x1xf32> -> vector<1024x1xf32>
    %get3A_20 = arith.constant 0 : index
    %get3A_21 = arith.constant 0 : index
    %get3A_22 = vector.load %arg6[%get3A_20, %get3A_21] : memref<1x64xf32, #tpu.memory_space<vmem>>, vector<1x64xf32>
    %get3A_23 = arith.constant 0 : index
    %get3A_24 = arith.constant 0 : index
    %get3A_25 = vector.load %arg5[%get3A_23, %get3A_24] : memref<1x64xf32, #tpu.memory_space<vmem>>, vector<1x64xf32>
    %mul3A = arith.mulf %get3A_22, %get3A_25 : vector<1x64xf32>
    %reduce_sum3A = vector.shape_cast %mul3A : vector<1x64xf32> to vector<1x1x64xf32>
    %reduce_sum3A_26 = arith.constant dense<0.000000e+00> : vector<1xf32>
    %reduce_sum3A_27 = vector.multi_reduction <add>, %reduce_sum3A, %reduce_sum3A_26 [1, 2] : vector<1x1x64xf32> to vector<1xf32>
    %reduce_sum3A_28 = vector.shape_cast %reduce_sum3A_27 : vector<1xf32> to vector<1x1x1xf32>
    %reduce_sum3A_29 = vector.extract %reduce_sum3A_28[0, 0, 0] : f32 from vector<1x1x1xf32>
    %get3A_30 = arith.constant 0 : index
    %get3A_31 = arith.constant 0 : index
    %get3A_32 = vector.load %arg7[%get3A_30, %get3A_31] : memref<1x1xf32, #tpu.memory_space<vmem>>, vector<1x1xf32>
    %get3A_33 = vector.extract %get3A_32[0, 0] : f32 from vector<1x1xf32>
    %add3A = arith.addf %reduce_sum3A_29, %get3A_33 : f32
    %squeeze3A = vector.shape_cast %dot_general3A_19 : vector<1024x1xf32> to vector<1024xf32>
    %add3A_34 = vector.broadcast %add3A : f32 to vector<1024xf32>
    %add3A_35 = arith.addf %squeeze3A, %add3A_34 : vector<1024xf32>
    %swap3A_36 = arith.constant 0 : index
    %swap3A_37 = vector.load %arg9[%swap3A_36] : memref<1024xf32, #tpu.memory_space<vmem>>, vector<1024xf32>
    tpu.vector_store %arg9[%swap3A_36], %add3A_35 {strides = array<i32>} : memref<1024xf32, #tpu.memory_space<vmem>>, vector<1024xf32>,
    return
  }
  func.func @transform_0(%arg0: i32) -> (i32, i32) {
    %c0_i32 = arith.constant 0 : i32
    %c0_i32_0 = arith.constant 0 : i32
    %c0_i32_1 = arith.constant 0 : i32
    return %c0_i32, %c0_i32_0 : i32, i32
  }
  func.func @transform_1(%arg0: i32) -> (i32, i32) {
    %c0_i32 = arith.constant 0 : i32
    %c0_i32_0 = arith.constant 0 : i32
    return %c0_i32, %arg0 : i32, i32
  }
  func.func @transform_2(%arg0: i32) -> (i32, i32) {
    %min3A = arith.constant 15 : i32
    %min3A_0 = arith.minsi %arg0, %min3A : i32
    %c0_i32 = arith.constant 0 : i32
    %c0_i32_1 = arith.constant 0 : i32
    return %min3A_0, %c0_i32 : i32, i32
  }
  func.func @transform_3(%arg0: i32) -> (i32, i32) {
    %c0_i32 = arith.constant 0 : i32
    %c0_i32_0 = arith.constant 0 : i32
    %c0_i32_1 = arith.constant 0 : i32
    return %c0_i32, %c0_i32_0 : i32, i32
  }
  func.func @transform_4(%arg0: i32) -> (i32, i32) {
    %c0_i32 = arith.constant 0 : i32
    %c0_i32_0 = arith.constant 0 : i32
    %c0_i32_1 = arith.constant 0 : i32
    return %c0_i32, %c0_i32_0 : i32, i32
  }
  func.func @transform_5(%arg0: i32) -> (i32, i32) {
    %c0_i32 = arith.constant 0 : i32
    %c0_i32_0 = arith.constant 0 : i32
    %c0_i32_1 = arith.constant 0 : i32
    return %c0_i32, %c0_i32_0 : i32, i32
  }
  func.func @transform_6(%arg0: i32) -> (i32, i32) {
    %c0_i32 = arith.constant 0 : i32
    %c0_i32_0 = arith.constant 0 : i32
    %c0_i32_1 = arith.constant 0 : i32
    return %c0_i32, %c0_i32_0 : i32, i32
  }
  func.func @transform_7(%arg0: i32) -> i32 {
    %c0_i32 = arith.constant 0 : i32
    return %arg0 : i32
  }
  func.func @transform_8(%arg0: i32) -> i32 {
    %min3A = arith.constant 15 : i32
    %min3A_0 = arith.minsi %arg0, %min3A : i32
    %c0_i32 = arith.constant 0 : i32
    return %min3A_0 : i32
  }
}

</mosaic_0001>

<sc_bundles>
// kernel: kernel.4.cloned.1.call-start
scs
__scs_entry_jumppad:
0x0: {  	(pc) =	sbr.rel $0x88, $3  }
0x1: {  	(tag) =	ssettag $0x0;
	lr =	simm.s32 $0x1  }
0x2: {  	[smem:$0x3F9A] =	sst lr;
	_ =	strace $0xD0000000  }
0x3: {  	_ = 	snop  }
0x4: {  	_ = 	snop  }
0x5: {  	_ = 	snop  }
0x6: {  	_ = 	snop  }
0x7: {  	_ = 	snop  }
__scs_overlays_trampoline_lowered:
0x8: {  	[smem:$0x3FA9] =	sst s0  }
0x9: {  	[smem:$0x3FAA] =	sst s1  }
0xa: {  	[smem:$0x3FAB] =	sst s2  }
0xb: {  	[smem:$0x3FAC] =	sst s3  }
0xc: {  	[smem:$0x3FAD] =	sst s4  }
0xd: {  	[smem:$0x3FAE] =	sst s5  }
0xe: {  	[smem:$0x3FAF] =	sst s6  }
0xf: {  	[smem:$0x3FB0] =	sst s7  }
0x10: {  	[smem:$0x3FB1] =	sst s8  }
0x11: {  	[smem:$0x3FB2] =	sst s9;
	s0 =	simm.s32 @!p0 $0x0  }
0x12: {  	s1 =	sld [smem:$0x3F98];
	s0 =	simm.s32 @p0 $0x1  }
0x13: {  	[smem:$0x3FB3] =	sst s0;
	s0 =	simm.s32 @!p1 $0x0  }
0x14: {  	s2 =	sld [smem:$0x3F97];
	s0 =	simm.s32 @p1 $0x1  }
0x15: {  	[smem:$0x3FB4] =	sst s0;
	s0 =	simm.s32 @!p2 $0x0  }
0x16: {  	s3 =	sld [smem:$0x3FDB];
	s0 =	simm.s32 @p2 $0x1  }
0x17: {  	s4 =	simm.s32 $0x1BF5;
	[smem:$0x3FB6] =	sst s0  }
0x18: {  	s0 =	sld [smem:$0x3F99];
	_ =	swait.ge [sflag:s4], $0x0  }
0x19: {  	s7 =	sld [smem:$0x3F9A]  }
0x1a: {  	s8 =	sadd.s32 $0xFFFFE003, lr  }
0x1b: {  	s9 =	sadd.s32 $0xFFFFFEF7, lr;
	s5 =	simm.s32 $0xFFFFFFFF;
	p2 =	slt.u32 s8, $0xFFFFF086  }
0x1c: {  	p1 =	slt.u32 s9, $0xF7A;
	s5 =	simm.s32 @!p2 $0x0  }
0x1d: {  	s5 =	simm.s32 @p1 $0x1;
	p0 =	seq.s32 s7, s2  }
0x1e: {  	s7 =	smul.u32 @!p0 $0xF7A, s2;
	p2 =	seq.s32 @!p0 s5, $0x0  }
0x1f: {  	s9 =	smul.u32 $0xF7A, s1;
	s8 =	simm.s32 @!p0 $0x1BF5;
	p2 =	por !p2, p0  }
0x20: {  	[sflag:s8] =	ssyncset.s32 @!p0 $0xFFFFF086;
	s6 =	sadd.s32 @!p0 s3, s7;
	s7 =	simm.s32 @!p0 $0x108  }
0x21: {  	s3 =	sadd.s32 s3, s9;
	s6 =	sadd.s32 @!p0 $0x88, s6;
	s7 =	simm.s32 @p2 $0x1082  }
0x22: {  	[simem:s7], [sflag:s8] =	dma.local @!p0 [hbm:s6], $0xF7A  }
0x23: {  	s9 =	sor.u32 $0xD0000000, s2;
	s6 =	simm.s32 $0x108;
	_ =	swait.ge @!p0 [sflag:s8], $0x0  }
0x24: {  	s3 =	sadd.s32 $0x88, s3;
	s6 =	simm.s32 @!p1 $0x1082;
	[sflag:s4] =	ssyncset.s32 $0xFFFFF086  }
0x25: {  	[simem:s6], [sflag:s4] =	dma.local [hbm:s3], $0xF7A  }
0x26: {  	[smem:$0x3F9A] =	sst s1;
	(tag) =	ssettag s2;
	_ =	strace s9  }
0x27: {  	s1 =	sld [smem:$0x3FAA]  }
0x28: {  	s2 =	sld [smem:$0x3FAB]  }
0x29: {  	s4 =	sld [smem:$0x3FAD]  }
0x2a: {  	p0 =	seq.s32 s5, $0x0;
	s5 =	sld [smem:$0x3FAE]  }
0x2b: {  	s6 =	sld [smem:$0x3FAF]  }
0x2c: {  	s7 =	sld [smem:$0x3FB0]  }
0x2d: {  	s3 =	simm.s32 $0x108;
	s8 =	sld [smem:$0x3FB1]  }
0x2e: {  	s3 =	simm.s32 @!p0 $0x1082;
	s9 =	sld [smem:$0x3FB2]  }
0x2f: {  	lr =	sadd.s32 s0, s3;
	s0 =	sld [smem:$0x3FA9]  }
0x30: {  	s3 =	sld [smem:$0x3FAC]  }
0x31: {  	[smem:$0x3FB5] =	sst s10  }
0x32: {  	s10 =	sld [smem:$0x3FB3];
	_ =	sdelay $0x3  }
0x33: {  	p0 =	seq.s32 s10, $0x1;
	s10 =	sld [smem:$0x3FB5];
	_ =	sdelay $0x3  }
0x34: {  	[smem:$0x3FB5] =	sst s10  }
0x35: {  	s10 =	sld [smem:$0x3FB4];
	_ =	sdelay $0x3  }
0x36: {  	p1 =	seq.s32 s10, $0x1;
	s10 =	sld [smem:$0x3FB5];
	_ =	sdelay $0x3  }
0x37: {  	[smem:$0x3FB5] =	sst s10  }
0x38: {  	s10 =	sld [smem:$0x3FB6]  }
0x39: {  	_ = 	snop;
	(pc) =	sbr.ind lr, $3  }
0x3a: {  	_ = 	snop  }
0x3b: {  	_ = 	snop  }
0x3c: {  	p2 =	seq.s32 s10, $0x1;
	s10 =	sld [smem:$0x3FB5]  }
0x3d: {  	_ =	shalt  }
0x3e: {  	_ =	shalt  }
0x3f: {  	_ =	shalt  }
0x40: {  	_ =	shalt  }
0x41: {  	_ =	shalt  }
0x42: {  	_ =	shalt  }
0x43: {  	_ =	shalt  }
0x44: {  	_ =	shalt  }
0x45: {  	_ =	shalt  }
0x46: {  	_ =	shalt  }
0x47: {  	_ =	shalt  }
0x48: {  	_ =	shalt  }
0x49: {  	_ =	shalt  }
0x4a: {  	_ =	shalt  }
0x4b: {  	_ =	shalt  }
0x4c: {  	_ =	shalt  }
0x4d: {  	_ =	shalt  }
0x4e: {  	_ =	shalt  }
0x4f: {  	_ =	shalt  }
0x50: {  	_ =	shalt  }
0x51: {  	_ =	shalt  }
0x52: {  	_ =	shalt  }
0x53: {  	_ =	shalt  }
0x54: {  	_ =	shalt  }
0x55: {  	_ =	shalt  }
0x56: {  	_ =	shalt  }
0x57: {  	_ =	shalt  }
0x58: {  	_ =	shalt  }
0x59: {  	_ =	shalt  }
0x5a: {  	_ =	shalt  }
0x5b: {  	_ =	shalt  }
0x5c: {  	_ =	shalt  }
0x5d: {  	_ =	shalt  }
0x5e: {  	_ =	shalt  }
0x5f: {  	_ =	shalt  }
0x60: {  	_ =	shalt  }
0x61: {  	_ =	shalt  }
0x62: {  	_ =	shalt  }
0x63: {  	_ =	shalt  }
0x64: {  	_ =	shalt  }
0x65: {  	_ =	shalt  }
0x66: {  	_ =	shalt  }
0x67: {  	_ =	shalt  }
0x68: {  	_ =	shalt  }
0x69: {  	_ =	shalt  }
0x6a: {  	_ =	shalt  }
0x6b: {  	_ =	shalt  }
0x6c: {  	_ =	shalt  }
0x6d: {  	_ =	shalt  }
0x6e: {  	_ =	shalt  }
0x6f: {  	_ =	shalt  }
0x70: {  	_ =	shalt  }
0x71: {  	_ =	shalt  }
0x72: {  	_ =	shalt  }
0x73: {  	_ =	shalt  }
0x74: {  	_ =	shalt  }
0x75: {  	_ =	shalt  }
0x76: {  	_ =	shalt  }
0x77: {  	_ =	shalt  }
0x78: {  	_ =	shalt  }
0x79: {  	_ =	shalt  }
0x7a: {  	_ =	shalt  }
0x7b: {  	_ =	shalt  }
0x7c: {  	_ =	shalt  }
0x7d: {  	_ =	shalt  }
0x7e: {  	_ =	shalt  }
0x7f: {  	_ =	shalt  }
0x80: {  	_ =	shalt  }
0x81: {  	_ =	shalt  }
0x82: {  	_ =	shalt  }
0x83: {  	_ =	shalt  }
0x84: {  	_ =	shalt  }
0x85: {  	_ =	shalt  }
0x86: {  	_ =	shalt  }
0x87: {  	_ =	shalt  }
.Lfunc_end0:
.L_simem_size_0:
called_computation_lowered:
.L_overlay_start_0:
0x88: {  	s2 =	sld [smem:$0x3FD9]  }
0x89: {  	s3 =	sld [smem:$0x3FFE];
	_ =	sdelay $0x1  }
0x8a: {  	s1 =	srdreg.scid  }
0x8b: {  	s0 =	sand.u32 $0x1, s1  }
0x8c: {  	s17 =	sshll.u32 s0, $0xA;
	s2 =	sadd.s32 s3, s2  }
0x8d: {  	s2 =	sadd.s32 s2, s17  }
0x8e: {  	[smem:$0x3FC1] =	sst s2  }
0x8f: {  	_ = 	snop  }
0x90: {  	s2 =	sld [smem:$0x3FC9]  }
0x91: {  	s18 =	sld [smem:$0x3FD0];
	(tm) =	ssettm $0x1  }
0x92: {  	s4 =	sld [smem:$0x3FFB];
	_ =	sdelay $0x3  }
0x93: {  	_ =	strace s4  }
0x94: {  	s4 =	sld [smem:$0x3FFC];
	_ =	sdelay $0x3  }
0x95: {  	_ =	strace s4  }
0x96: {  	s4 =	sld [smem:$0x3FFD];
	_ =	sdelay $0x3  }
0x97: {  	_ =	strace s4  }
0x98: {  	_ =	strace $0x8FFFFFFF  }
0x99: {  	s19 =	sld [smem:$0x3FDB];
	_ =	sdelay $0x1  }
0x9a: {  	s5 =	simm.s32 $_scs_section_size  }
0x9b: {  	s6 =	simm.s32 $_size__tile_overlayer_lowered;
	s7 =	simm.s32 $_tile_overlayer_lowered  }
0x9c: {  	s22 =	simm.s32 $0x1BFF;
	s21 =	sshll.u32 s7, $0x1;
	s4 =	sadd.s32 s5, s19  }
0x9d: {  	s8 =	simm.s32 $0x0;
	s20 =	sshll.u32 s6, $0x1;
	s6 =	sadd.s32 s21, s4  }
0x9e: {  	[timem:s8], [sflag:s22] =	dma.local [hbm:s6], s20  }
0x9f: {  	_ =	swait.ge [sflag:s22], s20  }
0xa0: {  	s5 =	ssub.s32 $0x0, s20;
	[sflag:s22] =	ssyncset.done $0x0  }
0xa1: {  	[sflag:s22] =	ssyncadd.s32 s5;
	_ =	sdelay $0x1  }
0xa2: {  	s23 =	simm.s32 $0x1B8B  }
0xa3: {  	_ =	swait.ge [sflag:s23], $0x1  }
0xa4: {  	[sflag:s23] =	ssyncset.done $0x0  }
0xa5: {  	s25 =	simm.s32 $0x1B8E;
	s24 =	sld [smem:$0x3FFE];
	[sflag:s23] =	ssyncadd.s32 $0xFFFFFFFF  }
0xa6: {  	s26 =	simm.s32 $execute0_lowered;
	[smem:$0x3FD2] =	sst s25  }
0xa7: {  	s6 =	sshll.u32 s26, $0x1;
	_ =	strace $0x80000046;
	[dreg:$0x1] =	wrdreg $0xFFFFFFFF  }
0xa8: {  	s28 =	simm.s32 $_size_execute0_lowered;
	s4 =	sadd.s32 s4, s6;
	[dreg:$0x0] =	wrdreg $0x0  }
0xa9: {  	s6 =	sshll.u32 s28, $0x1;
	[dreg:$0x2] =	wrdreg s4  }
0xaa: {  	[dreg:$0x3] =	wrdreg s6  }
0xab: {  	[dreg:$0x4] =	wrdreg $0xC0  }
0xac: {  	_ =	task [dreg:s8], $0x5FFFF  }
0xad: {  	[dreg:$0x1] =	wrdreg $0xFFFFFFFF  }
0xae: {  	[dreg:$0x0] =	wrdreg $0x60  }
0xaf: {  	[dreg:$0x2] =	wrdreg s24  }
0xb0: {  	[dreg:$0x3] =	wrdreg s2  }
0xb1: {  	[dreg:$0x4] =	wrdreg s18  }
0xb2: {  	[dreg:$0x5] =	wrdreg $0x9  }
0xb3: {  	_ =	task.clear_ibuf [dreg:s8], $0x6FFFF;
	_ =	strace $0x90000046  }
0xb4: {  	s29 =	simm.s32 $0x9;
	_ =	strace $0x80000048  }
0xb5: {  	_ =	swait.ge [sflag:s29], $0x1  }
0xb6: {  	[sflag:s29] =	ssyncadd.s32 $0xFFFFFFFF  }
0xb7: {  	_ =	strace $0x90000048  }
0xb8: {  	_ =	sfence  }
0xb9: {  	s30 =	sld [smem:$0x0];
	_ =	sdelay $0x2  }
0xba: {  	s31 =	sshll.u32 s1, $0xD;
	s1 =	sshrl.u32 s1, $0x2  }
0xbb: {  	s3 =	sand.u32 $0x4000, s31;
	s1 =	sadd.s32 s1, s30  }
0xbc: {  	s0 =	sor.u32 s3, s0;
	s1 =	sshll.u32 s1, $0x11  }
0xbd: {  	s0 =	sor.u32 s1, s0  }
0xbe: {  	s0 =	sadd.s32 $0x8F2B, s0  }
0xbf: {  	[sflag:s0] =	ssyncadd.remote.s32 $0x1  }
0xc0: {  	_ =	sfence.sel $0xFFFF  }
0xc1: {  	[dreg:$0x0] =	wrdreg $0xFFFFFFFF;
	(pc) =	sbr.abs _section_cstart, $3  }
0xc2: {  	[dreg:$0x1] =	wrdreg $0xFFFFFFFF  }
0xc3: {  	_ =	task.clear_ibuf [dreg:s8], $0x2FFFF;
	_ =	strace $0x9FFFFFFF  }
0xc4: {  	(tm) =	ssettm $0x7FFFFFFF  }
0xc5: {  	_ =	shalt  }
tec
execute0_lowered:
.L_overlay_start_1:
0x0: {  	(tag) =	ssettag $0x1  }
0x1: {  	s4 =	rddreg [dreg:$0x0]  }
0x2: {  	s5 =	rddreg [dreg:$0x1]  }
0x3: {  	s6 =	rddreg [dreg:$0x2]  }
0x4: {  	s0 =	rddreg [dreg:$0x3]  }
0x5: {  	s2 =	simm.s32 $0x0;
	s3 =	srdreg.scid;
	s1 =	stileid.u32  }
0x6: {  	s11 =	simm.s32 $0x1;
	s12 =	simm.s32 $0x600;
	s13 =	simm.s32 $0x0  }
0x7: {  	[smem:$0x7FF] =	sst s2;
	s3 =	sand.u32 $0x1, s3;
	s7 =	sshll.u32 s1, $0x7  }
0x8: {  	_ =	strace $0x80000047;
	s8 =	sshll.u32 s3, $0x6;
	s9 =	ssub.s32 $0x2, s3  }
0x9: {  	s3 =	sadd.s32 $0x1200, s4;
	s7 =	sor.u32 s8, s7;
	s31 =	sshrl.u32 s9, $0x1  }
0xa: {  	s10 =	sadd.s32 s7, s4;
	s8 =	ssub.s32 s9, s31;
	s4 =	sadd.s32 s5, s7  }
0xb: {  	s6 =	sadd.s32 s6, s7;
	s9 =	simm.s32 $0x200;
	s5 =	sadd.s32 $0x1FC00, s10  }
0xc: {  	s7 =	smax.u32 s8, $0x1;
	s8 =	simm.s32 $0x2;
	s10 =	simm.s32 $0x400  }
.LBB2_1:
0xd: {  	[tilespmem:s2], [sflag:$0x2] =	stream.linear.gather [hbm4b:s4+s2], $0x200, $0x38;
	[tilespmem:$0x800] =	vst v63  }
0xe: {  	_ =	swait.ge [sflag:s8], $0x200  }
0xf: {  	[sflag:s8] =	ssyncset.done $0x0  }
0x10: {  	[sflag:s8] =	ssyncadd.s32 $0xFFFFFE00  }
0x11: {  	[tilespmem:s9], [sflag:$0x1] =	stream.indirect.gather [hbm4b:s3+s9], $0x1, s2, s9, $0xb8;
	[tilespmem:$0x800] =	vst v63  }
0x12: {  	_ = 	snop  }
0x13: {  	[tilespmem:s10], [sflag:$0x2] =	stream.linear.gather [hbm4b:s5+s2], $0x200, $0x38;
	[tilespmem:$0x800] =	vst v63  }
0x14: {  	_ =	swait.ge [sflag:s8], $0x200  }
0x15: {  	[sflag:s8] =	ssyncset.done $0x0  }
0x16: {  	[sflag:s8] =	ssyncadd.s32 $0xFFFFFE00  }
0x17: {  	_ =	swait.ge [sflag:s11], $0x200  }
0x18: {  	[sflag:s11] =	ssyncset.done $0x0  }
0x19: {  	s14 =	simm.s32 $0x0;
	[sflag:s11] =	ssyncadd.s32 $0xFFFFFE00  }
0x1a: {  	v0 =	vld [tilespmem:s14+$0x200]  }
0x1b: {  	s15 =	simm.s32 $0x40;
	v1 =	vld [tilespmem:s14+$0x400]  }
.LBB2_2:
0x1c: {  	_ = 	snop  }
0x1d: {  	p0 =	sne.s32 s15, $0x7C0  }
.Ltmp0:
0x1e: {  	_ = 	snop;
	(pc) =	sbr.rel @p0 .LBB2_2-.Ltmp0, $4  }
0x1f: {  	_ = 	snop  }
0x20: {  	s16 =	sshra.s32 s15, $0x2;
	v2 =	vadd.f32 v1, v0  }
0x21: {  	v0 =	vld [tilespmem:s16+$0x200]  }
0x22: {  	s15 =	sadd.s32 $0x40, s15;
	v1 =	vld [tilespmem:s16+$0x400];
	[tilespmem:s14+$0x600] =	vst v2;
	s14 =	smov.u32 s16  }
0x23: {  	_ =	sdelay $0x3  }
0x24: {  	s13 =	sadd.s32 $0x1, s13;
	v0 =	vadd.f32 v1, v0  }
0x25: {  	p0 =	sne.s32 s13, s7  }
.Ltmp1:
0x26: {  	[tilespmem:s14+$0x600] =	vst v0;
	(pc) =	sbr.rel @p0 .LBB2_1-.Ltmp1, $4  }
0x27: {  	[hbm4b:s6+s2] =	stream.linear.scatter [tilespmem:s12], [sflag:$0x2], $0x200, $0x38;
	[tilespmem:$0x800] =	vst v63  }
0x28: {  	_ =	swait.ge [sflag:s8], $0x200  }
0x29: {  	[sflag:s8] =	ssyncset.done $0x0  }
0x2a: {  	[sflag:s8] =	ssyncadd.s32 $0xFFFFFE00  }
0x2b: {  	_ =	sfence.sel $0x180000  }
0x2c: {  	[bflag:$0x0] =	sbarrier.arrive $0xFFFF  }
0x2d: {  	p0 =	sne.s32 s1, $0x0;
	_ =	strace $0x90000047  }
0x2e: {  	s0 =	sadd.s32 @!p0 $0x100000, s0;
	[bflag:$0x2] =	sbarrier.arrive $0xFFFF  }
0x2f: {  	[sflag:s0] =	ssyncadd.tile.s32 @!p0 $0x1;
	_ =	shalt  }
.Lfunc_end2:
_tile_overlayer_lowered:
.L_overlay_start_2:
0x30: {  	(tag) =	ssettag $0x2  }
0x31: {  	s0 =	rddreg [dreg:$0x0];
	s2 =	stileid.u32  }
0x32: {  	s1 =	rddreg [dreg:$0x1];
	p0 =	sne.s32 s2, $0x0  }
0x33: {  	s3 =	rddreg [dreg:$0x2];
	[bflag:$0x3] =	sbarrier.arrive $0xFFFF;
	s2 =	simm.s32 @!p0 $0x1C02  }
0x34: {  	[timem:s3], [sflag:s2] =	dma.local @!p0 [hbm:s0], s1  }
0x35: {  	s0 =	simm.s32 @!p0 $0x2  }
0x36: {  	_ =	swait.ge @!p0 [sflag:s0], s1  }
0x37: {  	s1 =	ssub.s32 @!p0 $0x0, s1;
	[sflag:s0] =	ssyncset.done @!p0 $0x0  }
0x38: {  	[sflag:s0] =	ssyncadd.s32 @!p0 s1  }
0x39: {  	[bflag:$0x3] =	sbarrier.arrive $0xFFFF  }
0x3a: {  	_ =	shalt  }

</sc_bundles>
